<compile_context>
chip_gen: v7x
topology: tpu7x:2x2x1
jax: 0.10.2.dev20260603
libtpu: 0.0.44.dev20260713+nightly
codegen_flags: <defaults>
</compile_context>

<pallas_src>
import functools

import jax
import jax.numpy as jnp
from jax import lax
from jax.experimental import pallas as pl
from jax.experimental.pallas import tpu as pltpu
from jax.experimental.pallas import tpu_sc as plsc

NUM_STEPS = 1000
EMB_DIM = 128
PROJ_DIM = 128
BATCH = 16384

_NC = 2
_NS = 16
_NW = _NC * _NS
_B_PER_W = BATCH // _NW
_CHUNK = 128
_NCHUNK = _B_PER_W // _CHUNK


def _mlp_table_body(emb_ref, w1_ref, b1_ref, w2_ref, b2_ref, out_ref):
    x = emb_ref[...]
    h = jnp.dot(x, w1_ref[...], preferred_element_type=jnp.float32)
    h = h + b1_ref[...][None, :]
    h = h * jax.nn.sigmoid(h)
    y = jnp.dot(h, w2_ref[...], preferred_element_type=jnp.float32)
    y = y + b2_ref[...][None, :]
    out_ref[...] = y * jax.nn.sigmoid(y)


def _mlp_table(embedding, W1, b1, W2, b2):
    return pl.pallas_call(
        _mlp_table_body,
        out_shape=jax.ShapeDtypeStruct((NUM_STEPS, PROJ_DIM), jnp.float32),
    )(embedding, W1, b1, W2, b2)


_sc_mesh = plsc.VectorSubcoreMesh(core_axis_name="c", subcore_axis_name="s")


@functools.partial(
    pl.kernel,
    out_type=jax.ShapeDtypeStruct((BATCH, PROJ_DIM), jnp.float32),
    mesh=_sc_mesh,
    scratch_types=[
        pltpu.VMEM((_B_PER_W,), jnp.int32),
        pltpu.VMEM((_B_PER_W, PROJ_DIM), jnp.float32),
        pltpu.VMEM_SHARED((NUM_STEPS, PROJ_DIM), jnp.float32),
        pltpu.SemaphoreType.DMA,
        pltpu.SemaphoreType.DMA,
    ],
)
def _sc_gather(table_hbm, idx_hbm, out_hbm, idx_v, rows_v, tbl_sh, gsem, wsem):
    cid = lax.axis_index("c")
    sid = lax.axis_index("s")
    wid = sid * _NC + cid
    base = wid * _B_PER_W

    @pl.when(sid == 0)
    def _():
        pltpu.async_copy(table_hbm, tbl_sh, gsem)

    pltpu.sync_copy(idx_hbm.at[pl.ds(base, _B_PER_W)], idx_v)

    @pl.when(sid == 0)
    def _():
        pltpu.make_async_copy(table_hbm, tbl_sh, gsem).wait()

    plsc.subcore_barrier()
    gathers = []
    for j in range(_NCHUNK):
        gathers.append(
            pltpu.async_copy(
                tbl_sh.at[idx_v.at[pl.ds(j * _CHUNK, _CHUNK)]],
                rows_v.at[pl.ds(j * _CHUNK, _CHUNK)],
                gsem,
            )
        )
    writes = []
    for j in range(_NCHUNK):
        gathers[j].wait()
        writes.append(
            pltpu.async_copy(
                rows_v.at[pl.ds(j * _CHUNK, _CHUNK)],
                out_hbm.at[pl.ds(base + j * _CHUNK, _CHUNK)],
                wsem,
            )
        )
    for w in writes:
        w.wait()


def kernel(diffusion_step, embedding, W1, b1, W2, b2):
    table = _mlp_table(embedding, W1, b1, W2, b2)
    idx = diffusion_step.astype(jnp.int32)
    return _sc_gather(table, idx)

# --- scband reference (transcript-rebuilt; emitter-appended) ---
"""Pipeline reference for scband-diffusion-embedding-40089224740888 (READ-ONLY COPY).

The authoritative reference and input builder live on the scoring server;
editing this copy changes nothing except your own understanding.
"""

import jax, jax.numpy as jnp
import numpy as np

NUM_STEPS = 1000
EMB_DIM = 128
PROJ_DIM = 128
BATCH = 16384


def _build_embedding(num_steps, dim):
    steps = jnp.arange(num_steps, dtype=jnp.float32)[:, None]
    freqs = 10.0 ** (jnp.arange(dim, dtype=jnp.float32) / (dim - 1) * 4.0)[None, :]
    table = steps * freqs
    return jnp.concatenate([jnp.sin(table), jnp.cos(table)], axis=1)


def setup_inputs(seed: int = 0) -> dict:
    key = jax.random.key(seed)
    k1, k2, k3 = jax.random.split(key, 3)
    diffusion_step = jax.random.randint(k1, (BATCH,), 0, NUM_STEPS).astype(jnp.int64) if jax.config.jax_enable_x64 else jax.random.randint(k1, (BATCH,), 0, NUM_STEPS)
    embedding = _build_embedding(NUM_STEPS, EMB_DIM // 2)
    W1 = jax.random.normal(k2, (EMB_DIM, PROJ_DIM), dtype=jnp.float32) * 0.05
    b1 = jnp.zeros((PROJ_DIM,), dtype=jnp.float32)
    W2 = jax.random.normal(k3, (PROJ_DIM, PROJ_DIM), dtype=jnp.float32) * 0.05
    b2 = jnp.zeros((PROJ_DIM,), dtype=jnp.float32)
    return {"diffusion_step": diffusion_step, "embedding": embedding, "W1": W1, "b1": b1, "W2": W2, "b2": b2}


def reference(diffusion_step, embedding, W1, b1, W2, b2):
    # x = tf.gather(self.embedding, diffusion_step)
    x = jnp.take(embedding, diffusion_step, axis=0)
    # projection1 + silu
    x = x @ W1 + b1
    x = jax.nn.silu(x)
    # projection2 + silu
    x = x @ W2 + b2
    x = jax.nn.silu(x)
    return x

if __name__ == "__main__":
    import jax
    _d = setup_inputs()
    print(jax.jit(kernel)(*tuple(_d.values())))

</pallas_src>

<mosaic_0001>
#map = affine_map<(d0, d1) -> (0, 0)>
#map1 = affine_map<(d0, d1) -> (0)>
module attributes {stable_mosaic.version = 14 : i64} {
  func.func @_sc_gather(%arg0: i32, %arg1: i32, %arg2: memref<1000x128xf32, #tpu.memory_space<hbm>>, %arg3: memref<16384xi32, #tpu.memory_space<hbm>>, %arg4: memref<16384x128xf32, #tpu.memory_space<hbm>>, %arg5: memref<512xi32, #tpu.memory_space<vmem>>, %arg6: memref<512x128xf32, #tpu.memory_space<vmem>>, %arg7: memref<1000x128xf32, #tpu.memory_space<vmem_shared>>, %arg8: memref<!tpu.dma_semaphore, #tpu.memory_space<semaphore_mem>>, %arg9: memref<!tpu.dma_semaphore, #tpu.memory_space<semaphore_mem>>) attributes {dimension_semantics = [#tpu.dimension_semantics<core_parallel>, #tpu.dimension_semantics<subcore_parallel>], iteration_bounds = array<i64: 2, 16>, scalar_prefetch = 0 : i64, scratch_operands = 5 : i64, tpu.core_type = #tpu.core_type<sc_vector_subcore>, window_params = [{transform_indices = #map}, {transform_indices = #map1}, {transform_indices = #map}]} {
    %mul3A = arith.constant 2 : i32
    %mul3A_0 = arith.muli %arg1, %mul3A : i32
    %add3A = arith.addi %mul3A_0, %arg0 : i32
    %mul3A_1 = arith.constant 512 : i32
    %mul3A_2 = arith.muli %add3A, %mul3A_1 : i32
    %eq3A = arith.constant 0 : i32
    %eq3A_3 = arith.cmpi eq, %arg1, %eq3A : i32
    %convert_element_type3A = arith.extui %eq3A_3 : i1 to i32
    %cond3A = arith.constant 0 : i32
    %cond3A_4 = arith.cmpi ne, %convert_element_type3A, %cond3A : i32
    scf.if %cond3A_4 {
      tpu.enqueue_dma source(%arg2 : memref<1000x128xf32, #tpu.memory_space<hbm>>) target(%arg7 : memref<1000x128xf32, #tpu.memory_space<vmem_shared>>) target_semaphore(%arg8 : memref<!tpu.dma_semaphore, #tpu.memory_space<semaphore_mem>>)
    } else {
    }
    "tpu.region"() ({
      %run_scoped3A = tpu.sem_alloc : memref<!tpu.dma_semaphore, #tpu.memory_space<semaphore_mem>>
      %dma_start3A_160 = tpu.memref_slice %arg3[%mul3A_2] : memref<16384xi32, #tpu.memory_space<hbm>> -> memref<512xi32, #tpu.memory_space<hbm>>
      %dma_start3A_161 = tpu.memref_slice %arg3[%mul3A_2] : memref<16384xi32, #tpu.memory_space<hbm>> -> memref<512xi32, #tpu.memory_space<hbm>>
      tpu.enqueue_dma source(%dma_start3A_161 : memref<512xi32, #tpu.memory_space<hbm>>) target(%arg5 : memref<512xi32, #tpu.memory_space<vmem>>) target_semaphore(%run_scoped3A : memref<!tpu.dma_semaphore, #tpu.memory_space<semaphore_mem>>)
      %dma_wait3A_162 = tpu.memref_slice %arg3[%mul3A_2] : memref<16384xi32, #tpu.memory_space<hbm>> -> memref<512xi32, #tpu.memory_space<hbm>>
      %dma_wait3A_163 = tpu.memref_slice %arg3[%mul3A_2] : memref<16384xi32, #tpu.memory_space<hbm>> -> memref<512xi32, #tpu.memory_space<hbm>>
      tpu.wait_dma2 semaphore(%run_scoped3A : memref<!tpu.dma_semaphore, #tpu.memory_space<semaphore_mem>>) src(%dma_wait3A_163 : memref<512xi32, #tpu.memory_space<hbm>>) dst(%arg5 : memref<512xi32, #tpu.memory_space<vmem>>)
      tpu.yield
    }) : () -> ()
    %eq3A_5 = arith.constant 0 : i32
    %eq3A_6 = arith.cmpi eq, %arg1, %eq3A_5 : i32
    %convert_element_type3A_7 = arith.extui %eq3A_6 : i1 to i32
    %cond3A_8 = arith.constant 0 : i32
    %cond3A_9 = arith.cmpi ne, %convert_element_type3A_7, %cond3A_8 : i32
    scf.if %cond3A_9 {
      tpu.wait_dma2 semaphore(%arg8 : memref<!tpu.dma_semaphore, #tpu.memory_space<semaphore_mem>>) src(%arg2 : memref<1000x128xf32, #tpu.memory_space<hbm>>) dst(%arg7 : memref<1000x128xf32, #tpu.memory_space<vmem_shared>>)
    } else {
    }
    %barrier3A = arith.constant 0 : index
    tpu.barrier barrier_id(%barrier3A)
    %dma_start3A = arith.constant 0 : i32
    %dma_start3A_10 = arith.constant 0 : i32
    %dma_start3A_11 = tpu.memref_slice %arg6[%dma_start3A, %dma_start3A_10] : memref<512x128xf32, #tpu.memory_space<vmem>> -> memref<128x128xf32, #tpu.memory_space<vmem>>
    %dma_start3A_12 = arith.constant 0 : i32
    %dma_start3A_13 = tpu.memref_slice %arg5[%dma_start3A_12] : memref<512xi32, #tpu.memory_space<vmem>> -> memref<128xi32, #tpu.memory_space<vmem>>
    %dma_start3A_14 = arith.constant 0 : i32
    %dma_start3A_15 = arith.constant 0 : i32
    %dma_start3A_16 = tpu.memref_slice %arg7[%dma_start3A_14, %dma_start3A_15] : memref<1000x128xf32, #tpu.memory_space<vmem_shared>> -> memref<1000x128xf32, #tpu.memory_space<vmem_shared>>
    tpu.enqueue_indirect_dma source(%dma_start3A_16 : memref<1000x128xf32, #tpu.memory_space<vmem_shared>>) target(%dma_start3A_11 : memref<128x128xf32, #tpu.memory_space<vmem>>) offsets(%dma_start3A_13 : memref<128xi32, #tpu.memory_space<vmem>>) semaphore(%arg8 : memref<!tpu.dma_semaphore, #tpu.memory_space<semaphore_mem>>)
    %dma_start3A_17 = arith.constant 128 : i32
    %dma_start3A_18 = arith.constant 0 : i32
    %dma_start3A_19 = tpu.memref_slice %arg6[%dma_start3A_17, %dma_start3A_18] : memref<512x128xf32, #tpu.memory_space<vmem>> -> memref<128x128xf32, #tpu.memory_space<vmem>>
    %dma_start3A_20 = arith.constant 128 : i32
    %dma_start3A_21 = tpu.memref_slice %arg5[%dma_start3A_20] : memref<512xi32, #tpu.memory_space<vmem>> -> memref<128xi32, #tpu.memory_space<vmem>>
    %dma_start3A_22 = arith.constant 0 : i32
    %dma_start3A_23 = arith.constant 0 : i32
    %dma_start3A_24 = tpu.memref_slice %arg7[%dma_start3A_22, %dma_start3A_23] : memref<1000x128xf32, #tpu.memory_space<vmem_shared>> -> memref<1000x128xf32, #tpu.memory_space<vmem_shared>>
    tpu.enqueue_indirect_dma source(%dma_start3A_24 : memref<1000x128xf32, #tpu.memory_space<vmem_shared>>) target(%dma_start3A_19 : memref<128x128xf32, #tpu.memory_space<vmem>>) offsets(%dma_start3A_21 : memref<128xi32, #tpu.memory_space<vmem>>) semaphore(%arg8 : memref<!tpu.dma_semaphore, #tpu.memory_space<semaphore_mem>>)
    %dma_start3A_25 = arith.constant 256 : i32
    %dma_start3A_26 = arith.constant 0 : i32
    %dma_start3A_27 = tpu.memref_slice %arg6[%dma_start3A_25, %dma_start3A_26] : memref<512x128xf32, #tpu.memory_space<vmem>> -> memref<128x128xf32, #tpu.memory_space<vmem>>
    %dma_start3A_28 = arith.constant 256 : i32
    %dma_start3A_29 = tpu.memref_slice %arg5[%dma_start3A_28] : memref<512xi32, #tpu.memory_space<vmem>> -> memref<128xi32, #tpu.memory_space<vmem>>
    %dma_start3A_30 = arith.constant 0 : i32
    %dma_start3A_31 = arith.constant 0 : i32
    %dma_start3A_32 = tpu.memref_slice %arg7[%dma_start3A_30, %dma_start3A_31] : memref<1000x128xf32, #tpu.memory_space<vmem_shared>> -> memref<1000x128xf32, #tpu.memory_space<vmem_shared>>
    tpu.enqueue_indirect_dma source(%dma_start3A_32 : memref<1000x128xf32, #tpu.memory_space<vmem_shared>>) target(%dma_start3A_27 : memref<128x128xf32, #tpu.memory_space<vmem>>) offsets(%dma_start3A_29 : memref<128xi32, #tpu.memory_space<vmem>>) semaphore(%arg8 : memref<!tpu.dma_semaphore, #tpu.memory_space<semaphore_mem>>)
    %dma_start3A_33 = arith.constant 384 : i32
    %dma_start3A_34 = arith.constant 0 : i32
    %dma_start3A_35 = tpu.memref_slice %arg6[%dma_start3A_33, %dma_start3A_34] : memref<512x128xf32, #tpu.memory_space<vmem>> -> memref<128x128xf32, #tpu.memory_space<vmem>>
    %dma_start3A_36 = arith.constant 384 : i32
    %dma_start3A_37 = tpu.memref_slice %arg5[%dma_start3A_36] : memref<512xi32, #tpu.memory_space<vmem>> -> memref<128xi32, #tpu.memory_space<vmem>>
    %dma_start3A_38 = arith.constant 0 : i32
    %dma_start3A_39 = arith.constant 0 : i32
    %dma_start3A_40 = tpu.memref_slice %arg7[%dma_start3A_38, %dma_start3A_39] : memref<1000x128xf32, #tpu.memory_space<vmem_shared>> -> memref<1000x128xf32, #tpu.memory_space<vmem_shared>>
    tpu.enqueue_indirect_dma source(%dma_start3A_40 : memref<1000x128xf32, #tpu.memory_space<vmem_shared>>) target(%dma_start3A_35 : memref<128x128xf32, #tpu.memory_space<vmem>>) offsets(%dma_start3A_37 : memref<128xi32, #tpu.memory_space<vmem>>) semaphore(%arg8 : memref<!tpu.dma_semaphore, #tpu.memory_space<semaphore_mem>>)
    %dma_wait3A = arith.constant 0 : i32
    %dma_wait3A_41 = arith.constant 0 : i32
    %dma_wait3A_42 = tpu.memref_slice %arg6[%dma_wait3A, %dma_wait3A_41] : memref<512x128xf32, #tpu.memory_space<vmem>> -> memref<128x128xf32, #tpu.memory_space<vmem>>
    %dma_wait3A_43 = arith.constant 0 : i32
    %dma_wait3A_44 = tpu.memref_slice %arg5[%dma_wait3A_43] : memref<512xi32, #tpu.memory_space<vmem>> -> memref<128xi32, #tpu.memory_space<vmem>>
    %dma_wait3A_45 = arith.constant 0 : i32
    %dma_wait3A_46 = arith.constant 0 : i32
    %dma_wait3A_47 = tpu.memref_slice %arg7[%dma_wait3A_45, %dma_wait3A_46] : memref<1000x128xf32, #tpu.memory_space<vmem_shared>> -> memref<1000x128xf32, #tpu.memory_space<vmem_shared>>
    tpu.wait_indirect_dma semaphore(%arg8 : memref<!tpu.dma_semaphore, #tpu.memory_space<semaphore_mem>>) src(%dma_wait3A_47 : memref<1000x128xf32, #tpu.memory_space<vmem_shared>>) dst(%dma_wait3A_42 : memref<128x128xf32, #tpu.memory_space<vmem>>)
    %add3A_48 = arith.constant 0 : i32
    %add3A_49 = arith.addi %mul3A_2, %add3A_48 : i32
    %dma_start3A_50 = arith.constant 0 : i32
    %dma_start3A_51 = arith.constant 0 : i32
    %dma_start3A_52 = tpu.memref_slice %arg6[%dma_start3A_50, %dma_start3A_51] : memref<512x128xf32, #tpu.memory_space<vmem>> -> memref<128x128xf32, #tpu.memory_space<vmem>>
    %dma_start3A_53 = arith.constant 0 : i32
    %dma_start3A_54 = tpu.memref_slice %arg4[%add3A_49, %dma_start3A_53] : memref<16384x128xf32, #tpu.memory_space<hbm>> -> memref<128x128xf32, #tpu.memory_space<hbm>>
    %dma_start3A_55 = arith.constant 0 : i32
    %dma_start3A_56 = tpu.memref_slice %arg4[%add3A_49, %dma_start3A_55] : memref<16384x128xf32, #tpu.memory_space<hbm>> -> memref<128x128xf32, #tpu.memory_space<hbm>>
    %dma_start3A_57 = arith.constant 0 : i32
    %dma_start3A_58 = arith.constant 0 : i32
    %dma_start3A_59 = tpu.memref_slice %arg6[%dma_start3A_57, %dma_start3A_58] : memref<512x128xf32, #tpu.memory_space<vmem>> -> memref<128x128xf32, #tpu.memory_space<vmem>>
    tpu.enqueue_dma source(%dma_start3A_59 : memref<128x128xf32, #tpu.memory_space<vmem>>) target(%dma_start3A_56 : memref<128x128xf32, #tpu.memory_space<hbm>>) target_semaphore(%arg9 : memref<!tpu.dma_semaphore, #tpu.memory_space<semaphore_mem>>)
    %dma_wait3A_60 = arith.constant 128 : i32
    %dma_wait3A_61 = arith.constant 0 : i32
    %dma_wait3A_62 = tpu.memref_slice %arg6[%dma_wait3A_60, %dma_wait3A_61] : memref<512x128xf32, #tpu.memory_space<vmem>> -> memref<128x128xf32, #tpu.memory_space<vmem>>
    %dma_wait3A_63 = arith.constant 128 : i32
    %dma_wait3A_64 = tpu.memref_slice %arg5[%dma_wait3A_63] : memref<512xi32, #tpu.memory_space<vmem>> -> memref<128xi32, #tpu.memory_space<vmem>>
    %dma_wait3A_65 = arith.constant 0 : i32
    %dma_wait3A_66 = arith.constant 0 : i32
    %dma_wait3A_67 = tpu.memref_slice %arg7[%dma_wait3A_65, %dma_wait3A_66] : memref<1000x128xf32, #tpu.memory_space<vmem_shared>> -> memref<1000x128xf32, #tpu.memory_space<vmem_shared>>
    tpu.wait_indirect_dma semaphore(%arg8 : memref<!tpu.dma_semaphore, #tpu.memory_space<semaphore_mem>>) src(%dma_wait3A_67 : memref<1000x128xf32, #tpu.memory_space<vmem_shared>>) dst(%dma_wait3A_62 : memref<128x128xf32, #tpu.memory_space<vmem>>)
    %add3A_68 = arith.constant 128 : i32
    %add3A_69 = arith.addi %mul3A_2, %add3A_68 : i32
    %dma_start3A_70 = arith.constant 128 : i32
    %dma_start3A_71 = arith.constant 0 : i32
    %dma_start3A_72 = tpu.memref_slice %arg6[%dma_start3A_70, %dma_start3A_71] : memref<512x128xf32, #tpu.memory_space<vmem>> -> memref<128x128xf32, #tpu.memory_space<vmem>>
    %dma_start3A_73 = arith.constant 0 : i32
    %dma_start3A_74 = tpu.memref_slice %arg4[%add3A_69, %dma_start3A_73] : memref<16384x128xf32, #tpu.memory_space<hbm>> -> memref<128x128xf32, #tpu.memory_space<hbm>>
    %dma_start3A_75 = arith.constant 0 : i32
    %dma_start3A_76 = tpu.memref_slice %arg4[%add3A_69, %dma_start3A_75] : memref<16384x128xf32, #tpu.memory_space<hbm>> -> memref<128x128xf32, #tpu.memory_space<hbm>>
    %dma_start3A_77 = arith.constant 128 : i32
    %dma_start3A_78 = arith.constant 0 : i32
    %dma_start3A_79 = tpu.memref_slice %arg6[%dma_start3A_77, %dma_start3A_78] : memref<512x128xf32, #tpu.memory_space<vmem>> -> memref<128x128xf32, #tpu.memory_space<vmem>>
    tpu.enqueue_dma source(%dma_start3A_79 : memref<128x128xf32, #tpu.memory_space<vmem>>) target(%dma_start3A_76 : memref<128x128xf32, #tpu.memory_space<hbm>>) target_semaphore(%arg9 : memref<!tpu.dma_semaphore, #tpu.memory_space<semaphore_mem>>)
    %dma_wait3A_80 = arith.constant 256 : i32
    %dma_wait3A_81 = arith.constant 0 : i32
    %dma_wait3A_82 = tpu.memref_slice %arg6[%dma_wait3A_80, %dma_wait3A_81] : memref<512x128xf32, #tpu.memory_space<vmem>> -> memref<128x128xf32, #tpu.memory_space<vmem>>
    %dma_wait3A_83 = arith.constant 256 : i32
    %dma_wait3A_84 = tpu.memref_slice %arg5[%dma_wait3A_83] : memref<512xi32, #tpu.memory_space<vmem>> -> memref<128xi32, #tpu.memory_space<vmem>>
    %dma_wait3A_85 = arith.constant 0 : i32
    %dma_wait3A_86 = arith.constant 0 : i32
    %dma_wait3A_87 = tpu.memref_slice %arg7[%dma_wait3A_85, %dma_wait3A_86] : memref<1000x128xf32, #tpu.memory_space<vmem_shared>> -> memref<1000x128xf32, #tpu.memory_space<vmem_shared>>
    tpu.wait_indirect_dma semaphore(%arg8 : memref<!tpu.dma_semaphore, #tpu.memory_space<semaphore_mem>>) src(%dma_wait3A_87 : memref<1000x128xf32, #tpu.memory_space<vmem_shared>>) dst(%dma_wait3A_82 : memref<128x128xf32, #tpu.memory_space<vmem>>)
    %add3A_88 = arith.constant 256 : i32
    %add3A_89 = arith.addi %mul3A_2, %add3A_88 : i32
    %dma_start3A_90 = arith.constant 256 : i32
    %dma_start3A_91 = arith.constant 0 : i32
    %dma_start3A_92 = tpu.memref_slice %arg6[%dma_start3A_90, %dma_start3A_91] : memref<512x128xf32, #tpu.memory_space<vmem>> -> memref<128x128xf32, #tpu.memory_space<vmem>>
    %dma_start3A_93 = arith.constant 0 : i32
    %dma_start3A_94 = tpu.memref_slice %arg4[%add3A_89, %dma_start3A_93] : memref<16384x128xf32, #tpu.memory_space<hbm>> -> memref<128x128xf32, #tpu.memory_space<hbm>>
    %dma_start3A_95 = arith.constant 0 : i32
    %dma_start3A_96 = tpu.memref_slice %arg4[%add3A_89, %dma_start3A_95] : memref<16384x128xf32, #tpu.memory_space<hbm>> -> memref<128x128xf32, #tpu.memory_space<hbm>>
    %dma_start3A_97 = arith.constant 256 : i32
    %dma_start3A_98 = arith.constant 0 : i32
    %dma_start3A_99 = tpu.memref_slice %arg6[%dma_start3A_97, %dma_start3A_98] : memref<512x128xf32, #tpu.memory_space<vmem>> -> memref<128x128xf32, #tpu.memory_space<vmem>>
    tpu.enqueue_dma source(%dma_start3A_99 : memref<128x128xf32, #tpu.memory_space<vmem>>) target(%dma_start3A_96 : memref<128x128xf32, #tpu.memory_space<hbm>>) target_semaphore(%arg9 : memref<!tpu.dma_semaphore, #tpu.memory_space<semaphore_mem>>)
    %dma_wait3A_100 = arith.constant 384 : i32
    %dma_wait3A_101 = arith.constant 0 : i32
    %dma_wait3A_102 = tpu.memref_slice %arg6[%dma_wait3A_100, %dma_wait3A_101] : memref<512x128xf32, #tpu.memory_space<vmem>> -> memref<128x128xf32, #tpu.memory_space<vmem>>
    %dma_wait3A_103 = arith.constant 384 : i32
    %dma_wait3A_104 = tpu.memref_slice %arg5[%dma_wait3A_103] : memref<512xi32, #tpu.memory_space<vmem>> -> memref<128xi32, #tpu.memory_space<vmem>>
    %dma_wait3A_105 = arith.constant 0 : i32
    %dma_wait3A_106 = arith.constant 0 : i32
    %dma_wait3A_107 = tpu.memref_slice %arg7[%dma_wait3A_105, %dma_wait3A_106] : memref<1000x128xf32, #tpu.memory_space<vmem_shared>> -> memref<1000x128xf32, #tpu.memory_space<vmem_shared>>
    tpu.wait_indirect_dma semaphore(%arg8 : memref<!tpu.dma_semaphore, #tpu.memory_space<semaphore_mem>>) src(%dma_wait3A_107 : memref<1000x128xf32, #tpu.memory_space<vmem_shared>>) dst(%dma_wait3A_102 : memref<128x128xf32, #tpu.memory_space<vmem>>)
    %add3A_108 = arith.constant 384 : i32
    %add3A_109 = arith.addi %mul3A_2, %add3A_108 : i32
    %dma_start3A_110 = arith.constant 384 : i32
    %dma_start3A_111 = arith.constant 0 : i32
    %dma_start3A_112 = tpu.memref_slice %arg6[%dma_start3A_110, %dma_start3A_111] : memref<512x128xf32, #tpu.memory_space<vmem>> -> memref<128x128xf32, #tpu.memory_space<vmem>>
    %dma_start3A_113 = arith.constant 0 : i32
    %dma_start3A_114 = tpu.memref_slice %arg4[%add3A_109, %dma_start3A_113] : memref<16384x128xf32, #tpu.memory_space<hbm>> -> memref<128x128xf32, #tpu.memory_space<hbm>>
    %dma_start3A_115 = arith.constant 0 : i32
    %dma_start3A_116 = tpu.memref_slice %arg4[%add3A_109, %dma_start3A_115] : memref<16384x128xf32, #tpu.memory_space<hbm>> -> memref<128x128xf32, #tpu.memory_space<hbm>>
    %dma_start3A_117 = arith.constant 384 : i32
    %dma_start3A_118 = arith.constant 0 : i32
    %dma_start3A_119 = tpu.memref_slice %arg6[%dma_start3A_117, %dma_start3A_118] : memref<512x128xf32, #tpu.memory_space<vmem>> -> memref<128x128xf32, #tpu.memory_space<vmem>>
    tpu.enqueue_dma source(%dma_start3A_119 : memref<128x128xf32, #tpu.memory_space<vmem>>) target(%dma_start3A_116 : memref<128x128xf32, #tpu.memory_space<hbm>>) target_semaphore(%arg9 : memref<!tpu.dma_semaphore, #tpu.memory_space<semaphore_mem>>)
    %dma_wait3A_120 = arith.constant 0 : i32
    %dma_wait3A_121 = arith.constant 0 : i32
    %dma_wait3A_122 = tpu.memref_slice %arg6[%dma_wait3A_120, %dma_wait3A_121] : memref<512x128xf32, #tpu.memory_space<vmem>> -> memref<128x128xf32, #tpu.memory_space<vmem>>
    %dma_wait3A_123 = arith.constant 0 : i32
    %dma_wait3A_124 = tpu.memref_slice %arg4[%add3A_49, %dma_wait3A_123] : memref<16384x128xf32, #tpu.memory_space<hbm>> -> memref<128x128xf32, #tpu.memory_space<hbm>>
    %dma_wait3A_125 = arith.constant 0 : i32
    %dma_wait3A_126 = tpu.memref_slice %arg4[%add3A_49, %dma_wait3A_125] : memref<16384x128xf32, #tpu.memory_space<hbm>> -> memref<128x128xf32, #tpu.memory_space<hbm>>
    %dma_wait3A_127 = arith.constant 0 : i32
    %dma_wait3A_128 = arith.constant 0 : i32
    %dma_wait3A_129 = tpu.memref_slice %arg6[%dma_wait3A_127, %dma_wait3A_128] : memref<512x128xf32, #tpu.memory_space<vmem>> -> memref<128x128xf32, #tpu.memory_space<vmem>>
    tpu.wait_dma2 semaphore(%arg9 : memref<!tpu.dma_semaphore, #tpu.memory_space<semaphore_mem>>) src(%dma_wait3A_129 : memref<128x128xf32, #tpu.memory_space<vmem>>) dst(%dma_wait3A_126 : memref<128x128xf32, #tpu.memory_space<hbm>>)
    %dma_wait3A_130 = arith.constant 128 : i32
    %dma_wait3A_131 = arith.constant 0 : i32
    %dma_wait3A_132 = tpu.memref_slice %arg6[%dma_wait3A_130, %dma_wait3A_131] : memref<512x128xf32, #tpu.memory_space<vmem>> -> memref<128x128xf32, #tpu.memory_space<vmem>>
    %dma_wait3A_133 = arith.constant 0 : i32
    %dma_wait3A_134 = tpu.memref_slice %arg4[%add3A_69, %dma_wait3A_133] : memref<16384x128xf32, #tpu.memory_space<hbm>> -> memref<128x128xf32, #tpu.memory_space<hbm>>
    %dma_wait3A_135 = arith.constant 0 : i32
    %dma_wait3A_136 = tpu.memref_slice %arg4[%add3A_69, %dma_wait3A_135] : memref<16384x128xf32, #tpu.memory_space<hbm>> -> memref<128x128xf32, #tpu.memory_space<hbm>>
    %dma_wait3A_137 = arith.constant 128 : i32
    %dma_wait3A_138 = arith.constant 0 : i32
    %dma_wait3A_139 = tpu.memref_slice %arg6[%dma_wait3A_137, %dma_wait3A_138] : memref<512x128xf32, #tpu.memory_space<vmem>> -> memref<128x128xf32, #tpu.memory_space<vmem>>
    tpu.wait_dma2 semaphore(%arg9 : memref<!tpu.dma_semaphore, #tpu.memory_space<semaphore_mem>>) src(%dma_wait3A_139 : memref<128x128xf32, #tpu.memory_space<vmem>>) dst(%dma_wait3A_136 : memref<128x128xf32, #tpu.memory_space<hbm>>)
    %dma_wait3A_140 = arith.constant 256 : i32
    %dma_wait3A_141 = arith.constant 0 : i32
    %dma_wait3A_142 = tpu.memref_slice %arg6[%dma_wait3A_140, %dma_wait3A_141] : memref<512x128xf32, #tpu.memory_space<vmem>> -> memref<128x128xf32, #tpu.memory_space<vmem>>
    %dma_wait3A_143 = arith.constant 0 : i32
    %dma_wait3A_144 = tpu.memref_slice %arg4[%add3A_89, %dma_wait3A_143] : memref<16384x128xf32, #tpu.memory_space<hbm>> -> memref<128x128xf32, #tpu.memory_space<hbm>>
    %dma_wait3A_145 = arith.constant 0 : i32
    %dma_wait3A_146 = tpu.memref_slice %arg4[%add3A_89, %dma_wait3A_145] : memref<16384x128xf32, #tpu.memory_space<hbm>> -> memref<128x128xf32, #tpu.memory_space<hbm>>
    %dma_wait3A_147 = arith.constant 256 : i32
    %dma_wait3A_148 = arith.constant 0 : i32
    %dma_wait3A_149 = tpu.memref_slice %arg6[%dma_wait3A_147, %dma_wait3A_148] : memref<512x128xf32, #tpu.memory_space<vmem>> -> memref<128x128xf32, #tpu.memory_space<vmem>>
    tpu.wait_dma2 semaphore(%arg9 : memref<!tpu.dma_semaphore, #tpu.memory_space<semaphore_mem>>) src(%dma_wait3A_149 : memref<128x128xf32, #tpu.memory_space<vmem>>) dst(%dma_wait3A_146 : memref<128x128xf32, #tpu.memory_space<hbm>>)
    %dma_wait3A_150 = arith.constant 384 : i32
    %dma_wait3A_151 = arith.constant 0 : i32
    %dma_wait3A_152 = tpu.memref_slice %arg6[%dma_wait3A_150, %dma_wait3A_151] : memref<512x128xf32, #tpu.memory_space<vmem>> -> memref<128x128xf32, #tpu.memory_space<vmem>>
    %dma_wait3A_153 = arith.constant 0 : i32
    %dma_wait3A_154 = tpu.memref_slice %arg4[%add3A_109, %dma_wait3A_153] : memref<16384x128xf32, #tpu.memory_space<hbm>> -> memref<128x128xf32, #tpu.memory_space<hbm>>
    %dma_wait3A_155 = arith.constant 0 : i32
    %dma_wait3A_156 = tpu.memref_slice %arg4[%add3A_109, %dma_wait3A_155] : memref<16384x128xf32, #tpu.memory_space<hbm>> -> memref<128x128xf32, #tpu.memory_space<hbm>>
    %dma_wait3A_157 = arith.constant 384 : i32
    %dma_wait3A_158 = arith.constant 0 : i32
    %dma_wait3A_159 = tpu.memref_slice %arg6[%dma_wait3A_157, %dma_wait3A_158] : memref<512x128xf32, #tpu.memory_space<vmem>> -> memref<128x128xf32, #tpu.memory_space<vmem>>
    tpu.wait_dma2 semaphore(%arg9 : memref<!tpu.dma_semaphore, #tpu.memory_space<semaphore_mem>>) src(%dma_wait3A_159 : memref<128x128xf32, #tpu.memory_space<vmem>>) dst(%dma_wait3A_156 : memref<128x128xf32, #tpu.memory_space<hbm>>)
    return
  }
}

module attributes {stable_mosaic.version = 14 : i64} {
  func.func @_mlp_table_body(%arg0: memref<1000x128xf32, #tpu.memory_space<vmem>>, %arg1: memref<128x128xf32, #tpu.memory_space<vmem>>, %arg2: memref<128xf32, #tpu.memory_space<vmem>>, %arg3: memref<128x128xf32, #tpu.memory_space<vmem>>, %arg4: memref<128xf32, #tpu.memory_space<vmem>>, %arg5: memref<1000x128xf32, #tpu.memory_space<vmem>>) attributes {dimension_semantics = [], scalar_prefetch = 0 : i64, scratch_operands = 0 : i64, tpu.core_type = #tpu.core_type<tc>} {
    %get3A = arith.constant 0 : index
    %get3A_0 = arith.constant 0 : index
    %get3A_1 = vector.load %arg0[%get3A, %get3A_0] : memref<1000x128xf32, #tpu.memory_space<vmem>>, vector<1000x128xf32>
    %get3A_2 = arith.constant 0 : index
    %get3A_3 = arith.constant 0 : index
    %get3A_4 = vector.load %arg1[%get3A_2, %get3A_3] : memref<128x128xf32, #tpu.memory_space<vmem>>, vector<128x128xf32>
    %dot_general3A = arith.constant dense<0.000000e+00> : vector<1000x128xf32>
    %dot_general3A_5 = tpu.matmul %get3A_1, %get3A_4, %dot_general3A {dimension_numbers = #tpu.dot_dimension_numbers<[1], [0], [0], [1], [0, 0, 1, 1], [], []>, transpose_lhs_hint = false} : vector<1000x128xf32>, vector<128x128xf32>, vector<1000x128xf32> -> vector<1000x128xf32>
    %get3A_6 = arith.constant 0 : index
    %get3A_7 = vector.load %arg2[%get3A_6] : memref<128xf32, #tpu.memory_space<vmem>>, vector<128xf32>
    %broadcast_in_dim3A = vector.shape_cast %get3A_7 : vector<128xf32> to vector<1x128xf32>
    %add3A = vector.broadcast %broadcast_in_dim3A : vector<1x128xf32> to vector<1000x128xf32>
    %add3A_8 = arith.addf %dot_general3A_5, %add3A : vector<1000x128xf32>
    %logistic3A = arith.negf %add3A_8 : vector<1000x128xf32>
    %logistic3A_9 = math.exp %logistic3A : vector<1000x128xf32>
    %logistic3A_10 = arith.constant 1.000000e+00 : f32
    %logistic3A_11 = vector.broadcast %logistic3A_10 : f32 to vector<1000x128xf32>
    %logistic3A_12 = arith.addf %logistic3A_11, %logistic3A_9 : vector<1000x128xf32>
    %logistic3A_13 = arith.divf %logistic3A_11, %logistic3A_12 : vector<1000x128xf32>
    %mul3A = arith.mulf %add3A_8, %logistic3A_13 : vector<1000x128xf32>
    %get3A_14 = arith.constant 0 : index
    %get3A_15 = arith.constant 0 : index
    %get3A_16 = vector.load %arg3[%get3A_14, %get3A_15] : memref<128x128xf32, #tpu.memory_space<vmem>>, vector<128x128xf32>
    %dot_general3A_17 = arith.constant dense<0.000000e+00> : vector<1000x128xf32>
    %dot_general3A_18 = tpu.matmul %mul3A, %get3A_16, %dot_general3A_17 {dimension_numbers = #tpu.dot_dimension_numbers<[1], [0], [0], [1], [0, 0, 1, 1], [], []>, transpose_lhs_hint = false} : vector<1000x128xf32>, vector<128x128xf32>, vector<1000x128xf32> -> vector<1000x128xf32>
    %get3A_19 = arith.constant 0 : index
    %get3A_20 = vector.load %arg4[%get3A_19] : memref<128xf32, #tpu.memory_space<vmem>>, vector<128xf32>
    %broadcast_in_dim3A_21 = vector.shape_cast %get3A_20 : vector<128xf32> to vector<1x128xf32>
    %add3A_22 = vector.broadcast %broadcast_in_dim3A_21 : vector<1x128xf32> to vector<1000x128xf32>
    %add3A_23 = arith.addf %dot_general3A_18, %add3A_22 : vector<1000x128xf32>
    %logistic3A_24 = arith.negf %add3A_23 : vector<1000x128xf32>
    %logistic3A_25 = math.exp %logistic3A_24 : vector<1000x128xf32>
    %logistic3A_26 = arith.constant 1.000000e+00 : f32
    %logistic3A_27 = vector.broadcast %logistic3A_26 : f32 to vector<1000x128xf32>
    %logistic3A_28 = arith.addf %logistic3A_27, %logistic3A_25 : vector<1000x128xf32>
    %logistic3A_29 = arith.divf %logistic3A_27, %logistic3A_28 : vector<1000x128xf32>
    %mul3A_30 = arith.mulf %add3A_23, %logistic3A_29 : vector<1000x128xf32>
    %swap3A = arith.constant 0 : index
    %swap3A_31 = arith.constant 0 : index
    %swap3A_32 = vector.load %arg5[%swap3A, %swap3A_31] : memref<1000x128xf32, #tpu.memory_space<vmem>>, vector<1000x128xf32>
    tpu.vector_store %arg5[%swap3A, %swap3A_31], %mul3A_30 {strides = array<i32>} : memref<1000x128xf32, #tpu.memory_space<vmem>>, vector<1000x128xf32>,
    return
  }
}

</mosaic_0001>

<sc_bundles>
// kernel: kernel.4.cloned.1.call-start
scs
__scs_entry_jumppad:
0x0: {  	(pc) =	sbr.rel $0x88, $3  }
0x1: {  	(tag) =	ssettag $0x0;
	lr =	simm.s32 $0x1  }
0x2: {  	[smem:$0x3F9B] =	sst lr;
	_ =	strace $0xD0000000  }
0x3: {  	_ = 	snop  }
0x4: {  	_ = 	snop  }
0x5: {  	_ = 	snop  }
0x6: {  	_ = 	snop  }
0x7: {  	_ = 	snop  }
__scs_overlays_trampoline_lowered:
0x8: {  	[smem:$0x3FAA] =	sst s0  }
0x9: {  	[smem:$0x3FAB] =	sst s1  }
0xa: {  	[smem:$0x3FAC] =	sst s2  }
0xb: {  	[smem:$0x3FAD] =	sst s3  }
0xc: {  	[smem:$0x3FAE] =	sst s4  }
0xd: {  	[smem:$0x3FAF] =	sst s5  }
0xe: {  	[smem:$0x3FB0] =	sst s6  }
0xf: {  	[smem:$0x3FB1] =	sst s7  }
0x10: {  	[smem:$0x3FB2] =	sst s8  }
0x11: {  	[smem:$0x3FB3] =	sst s9;
	s0 =	simm.s32 @!p0 $0x0  }
0x12: {  	s1 =	sld [smem:$0x3F99];
	s0 =	simm.s32 @p0 $0x1  }
0x13: {  	[smem:$0x3FB4] =	sst s0;
	s0 =	simm.s32 @!p1 $0x0  }
0x14: {  	s2 =	sld [smem:$0x3F98];
	s0 =	simm.s32 @p1 $0x1  }
0x15: {  	[smem:$0x3FB5] =	sst s0;
	s0 =	simm.s32 @!p2 $0x0  }
0x16: {  	s3 =	sld [smem:$0x3FDB];
	s0 =	simm.s32 @p2 $0x1  }
0x17: {  	s4 =	simm.s32 $0x1BF5;
	[smem:$0x3FB7] =	sst s0  }
0x18: {  	s0 =	sld [smem:$0x3F9A];
	_ =	swait.ge [sflag:s4], $0x0  }
0x19: {  	s7 =	sld [smem:$0x3F9B]  }
0x1a: {  	s8 =	sadd.s32 $0xFFFFE003, lr  }
0x1b: {  	s9 =	sadd.s32 $0xFFFFFEF7, lr;
	s5 =	simm.s32 $0xFFFFFFFF;
	p2 =	slt.u32 s8, $0xFFFFF086  }
0x1c: {  	p1 =	slt.u32 s9, $0xF7A;
	s5 =	simm.s32 @!p2 $0x0  }
0x1d: {  	s5 =	simm.s32 @p1 $0x1;
	p0 =	seq.s32 s7, s2  }
0x1e: {  	s7 =	smul.u32 @!p0 $0xF7A, s2;
	p2 =	seq.s32 @!p0 s5, $0x0  }
0x1f: {  	s9 =	smul.u32 $0xF7A, s1;
	s8 =	simm.s32 @!p0 $0x1BF5;
	p2 =	por !p2, p0  }
0x20: {  	[sflag:s8] =	ssyncset.s32 @!p0 $0xFFFFF086;
	s6 =	sadd.s32 @!p0 s3, s7;
	s7 =	simm.s32 @!p0 $0x108  }
0x21: {  	s3 =	sadd.s32 s3, s9;
	s6 =	sadd.s32 @!p0 $0x88, s6;
	s7 =	simm.s32 @p2 $0x1082  }
0x22: {  	[simem:s7], [sflag:s8] =	dma.local @!p0 [hbm:s6], $0xF7A  }
0x23: {  	s9 =	sor.u32 $0xD0000000, s2;
	s6 =	simm.s32 $0x108;
	_ =	swait.ge @!p0 [sflag:s8], $0x0  }
0x24: {  	s3 =	sadd.s32 $0x88, s3;
	s6 =	simm.s32 @!p1 $0x1082;
	[sflag:s4] =	ssyncset.s32 $0xFFFFF086  }
0x25: {  	[simem:s6], [sflag:s4] =	dma.local [hbm:s3], $0xF7A  }
0x26: {  	[smem:$0x3F9B] =	sst s1;
	(tag) =	ssettag s2;
	_ =	strace s9  }
0x27: {  	s1 =	sld [smem:$0x3FAB]  }
0x28: {  	s2 =	sld [smem:$0x3FAC]  }
0x29: {  	s4 =	sld [smem:$0x3FAE]  }
0x2a: {  	p0 =	seq.s32 s5, $0x0;
	s5 =	sld [smem:$0x3FAF]  }
0x2b: {  	s6 =	sld [smem:$0x3FB0]  }
0x2c: {  	s7 =	sld [smem:$0x3FB1]  }
0x2d: {  	s3 =	simm.s32 $0x108;
	s8 =	sld [smem:$0x3FB2]  }
0x2e: {  	s3 =	simm.s32 @!p0 $0x1082;
	s9 =	sld [smem:$0x3FB3]  }
0x2f: {  	lr =	sadd.s32 s0, s3;
	s0 =	sld [smem:$0x3FAA]  }
0x30: {  	s3 =	sld [smem:$0x3FAD]  }
0x31: {  	[smem:$0x3FB6] =	sst s10  }
0x32: {  	s10 =	sld [smem:$0x3FB4];
	_ =	sdelay $0x3  }
0x33: {  	p0 =	seq.s32 s10, $0x1;
	s10 =	sld [smem:$0x3FB6];
	_ =	sdelay $0x3  }
0x34: {  	[smem:$0x3FB6] =	sst s10  }
0x35: {  	s10 =	sld [smem:$0x3FB5];
	_ =	sdelay $0x3  }
0x36: {  	p1 =	seq.s32 s10, $0x1;
	s10 =	sld [smem:$0x3FB6];
	_ =	sdelay $0x3  }
0x37: {  	[smem:$0x3FB6] =	sst s10  }
0x38: {  	s10 =	sld [smem:$0x3FB7]  }
0x39: {  	_ = 	snop;
	(pc) =	sbr.ind lr, $3  }
0x3a: {  	_ = 	snop  }
0x3b: {  	_ = 	snop  }
0x3c: {  	p2 =	seq.s32 s10, $0x1;
	s10 =	sld [smem:$0x3FB6]  }
0x3d: {  	_ =	shalt  }
0x3e: {  	_ =	shalt  }
0x3f: {  	_ =	shalt  }
0x40: {  	_ =	shalt  }
0x41: {  	_ =	shalt  }
0x42: {  	_ =	shalt  }
0x43: {  	_ =	shalt  }
0x44: {  	_ =	shalt  }
0x45: {  	_ =	shalt  }
0x46: {  	_ =	shalt  }
0x47: {  	_ =	shalt  }
0x48: {  	_ =	shalt  }
0x49: {  	_ =	shalt  }
0x4a: {  	_ =	shalt  }
0x4b: {  	_ =	shalt  }
0x4c: {  	_ =	shalt  }
0x4d: {  	_ =	shalt  }
0x4e: {  	_ =	shalt  }
0x4f: {  	_ =	shalt  }
0x50: {  	_ =	shalt  }
0x51: {  	_ =	shalt  }
0x52: {  	_ =	shalt  }
0x53: {  	_ =	shalt  }
0x54: {  	_ =	shalt  }
0x55: {  	_ =	shalt  }
0x56: {  	_ =	shalt  }
0x57: {  	_ =	shalt  }
0x58: {  	_ =	shalt  }
0x59: {  	_ =	shalt  }
0x5a: {  	_ =	shalt  }
0x5b: {  	_ =	shalt  }
0x5c: {  	_ =	shalt  }
0x5d: {  	_ =	shalt  }
0x5e: {  	_ =	shalt  }
0x5f: {  	_ =	shalt  }
0x60: {  	_ =	shalt  }
0x61: {  	_ =	shalt  }
0x62: {  	_ =	shalt  }
0x63: {  	_ =	shalt  }
0x64: {  	_ =	shalt  }
0x65: {  	_ =	shalt  }
0x66: {  	_ =	shalt  }
0x67: {  	_ =	shalt  }
0x68: {  	_ =	shalt  }
0x69: {  	_ =	shalt  }
0x6a: {  	_ =	shalt  }
0x6b: {  	_ =	shalt  }
0x6c: {  	_ =	shalt  }
0x6d: {  	_ =	shalt  }
0x6e: {  	_ =	shalt  }
0x6f: {  	_ =	shalt  }
0x70: {  	_ =	shalt  }
0x71: {  	_ =	shalt  }
0x72: {  	_ =	shalt  }
0x73: {  	_ =	shalt  }
0x74: {  	_ =	shalt  }
0x75: {  	_ =	shalt  }
0x76: {  	_ =	shalt  }
0x77: {  	_ =	shalt  }
0x78: {  	_ =	shalt  }
0x79: {  	_ =	shalt  }
0x7a: {  	_ =	shalt  }
0x7b: {  	_ =	shalt  }
0x7c: {  	_ =	shalt  }
0x7d: {  	_ =	shalt  }
0x7e: {  	_ =	shalt  }
0x7f: {  	_ =	shalt  }
0x80: {  	_ =	shalt  }
0x81: {  	_ =	shalt  }
0x82: {  	_ =	shalt  }
0x83: {  	_ =	shalt  }
0x84: {  	_ =	shalt  }
0x85: {  	_ =	shalt  }
0x86: {  	_ =	shalt  }
0x87: {  	_ =	shalt  }
.Lfunc_end0:
.L_simem_size_0:
called_computation_lowered:
.L_overlay_start_0:
0x88: {  	s2 =	sld [smem:$0x3FD9]  }
0x89: {  	s3 =	sld [smem:$0x3FFE];
	_ =	sdelay $0x1  }
0x8a: {  	s1 =	srdreg.scid  }
0x8b: {  	s0 =	sand.u32 $0x1, s1  }
0x8c: {  	s17 =	sshll.u32 s0, $0xA;
	s2 =	sadd.s32 s3, s2  }
0x8d: {  	s2 =	sadd.s32 s2, s17  }
0x8e: {  	[smem:$0x3FC2] =	sst s2  }
0x8f: {  	_ = 	snop  }
0x90: {  	s2 =	sld [smem:$0x3FC9]  }
0x91: {  	s18 =	sld [smem:$0x3FD0];
	(tm) =	ssettm $0x1  }
0x92: {  	s4 =	sld [smem:$0x3FFB];
	_ =	sdelay $0x3  }
0x93: {  	_ =	strace s4  }
0x94: {  	s4 =	sld [smem:$0x3FFC];
	_ =	sdelay $0x3  }
0x95: {  	_ =	strace s4  }
0x96: {  	s4 =	sld [smem:$0x3FFD];
	_ =	sdelay $0x3  }
0x97: {  	_ =	strace s4  }
0x98: {  	_ =	strace $0x8FFFFFFF  }
0x99: {  	s19 =	sld [smem:$0x3FDB];
	_ =	sdelay $0x1  }
0x9a: {  	s5 =	simm.s32 $_scs_section_size  }
0x9b: {  	s6 =	simm.s32 $_size__tile_overlayer_lowered;
	s7 =	simm.s32 $_tile_overlayer_lowered  }
0x9c: {  	s22 =	simm.s32 $0x1BFF;
	s21 =	sshll.u32 s7, $0x1;
	s4 =	sadd.s32 s5, s19  }
0x9d: {  	s8 =	simm.s32 $0x0;
	s20 =	sshll.u32 s6, $0x1;
	s6 =	sadd.s32 s21, s4  }
0x9e: {  	[timem:s8], [sflag:s22] =	dma.local [hbm:s6], s20  }
0x9f: {  	_ =	swait.ge [sflag:s22], s20  }
0xa0: {  	s5 =	ssub.s32 $0x0, s20;
	[sflag:s22] =	ssyncset.done $0x0  }
0xa1: {  	[sflag:s22] =	ssyncadd.s32 s5;
	_ =	sdelay $0x1  }
0xa2: {  	s23 =	simm.s32 $0x1B8B  }
0xa3: {  	_ =	swait.ge [sflag:s23], $0x1  }
0xa4: {  	[sflag:s23] =	ssyncset.done $0x0  }
0xa5: {  	s25 =	simm.s32 $0x1B8E;
	s24 =	sld [smem:$0x3FFE];
	[sflag:s23] =	ssyncadd.s32 $0xFFFFFFFF  }
0xa6: {  	s26 =	simm.s32 $execute0_lowered;
	[smem:$0x3FD2] =	sst s25  }
0xa7: {  	s6 =	sshll.u32 s26, $0x1;
	_ =	strace $0x80000046;
	[dreg:$0x1] =	wrdreg $0xFFFFFFFF  }
0xa8: {  	s28 =	simm.s32 $_size_execute0_lowered;
	s4 =	sadd.s32 s4, s6;
	[dreg:$0x0] =	wrdreg $0x0  }
0xa9: {  	s6 =	sshll.u32 s28, $0x1;
	[dreg:$0x2] =	wrdreg s4  }
0xaa: {  	[dreg:$0x3] =	wrdreg s6  }
0xab: {  	[dreg:$0x4] =	wrdreg $0xC0  }
0xac: {  	_ =	task [dreg:s8], $0x5FFFF  }
0xad: {  	[dreg:$0x1] =	wrdreg $0xFFFFFFFF  }
0xae: {  	[dreg:$0x0] =	wrdreg $0x60  }
0xaf: {  	[dreg:$0x2] =	wrdreg s24  }
0xb0: {  	[dreg:$0x3] =	wrdreg s2  }
0xb1: {  	[dreg:$0x4] =	wrdreg s18  }
0xb2: {  	[dreg:$0x5] =	wrdreg $0x102000  }
0xb3: {  	[dreg:$0x6] =	wrdreg $0x9  }
0xb4: {  	_ =	task.clear_ibuf [dreg:s8], $0x7FFFF;
	_ =	strace $0x90000046  }
0xb5: {  	s29 =	simm.s32 $0x9;
	_ =	strace $0x80000048  }
0xb6: {  	_ =	swait.ge [sflag:s29], $0x1  }
0xb7: {  	[sflag:s29] =	ssyncadd.s32 $0xFFFFFFFF  }
0xb8: {  	_ =	strace $0x90000048  }
0xb9: {  	_ =	sfence  }
0xba: {  	s30 =	sld [smem:$0x0];
	_ =	sdelay $0x2  }
0xbb: {  	s31 =	sshll.u32 s1, $0xD;
	s1 =	sshrl.u32 s1, $0x2  }
0xbc: {  	s3 =	sand.u32 $0x4000, s31;
	s1 =	sadd.s32 s1, s30  }
0xbd: {  	s0 =	sor.u32 s3, s0;
	s1 =	sshll.u32 s1, $0x11  }
0xbe: {  	s0 =	sor.u32 s1, s0  }
0xbf: {  	s0 =	sadd.s32 $0x8F2B, s0  }
0xc0: {  	[sflag:s0] =	ssyncadd.remote.s32 $0x1  }
0xc1: {  	_ =	sfence.sel $0xFFFF  }
0xc2: {  	[dreg:$0x0] =	wrdreg $0xFFFFFFFF;
	(pc) =	sbr.abs _section_cstart, $3  }
0xc3: {  	[dreg:$0x1] =	wrdreg $0xFFFFFFFF  }
0xc4: {  	_ =	task.clear_ibuf [dreg:s8], $0x2FFFF;
	_ =	strace $0x9FFFFFFF  }
0xc5: {  	(tm) =	ssettm $0x7FFFFFFF  }
tec
execute0_lowered:
.L_overlay_start_1:
0x0: {  	(tag) =	ssettag $0x1  }
0x1: {  	s3 =	rddreg [dreg:$0x0]  }
0x2: {  	s4 =	rddreg [dreg:$0x1]  }
0x3: {  	s5 =	rddreg [dreg:$0x2]  }
0x4: {  	s2 =	rddreg [dreg:$0x3]  }
0x5: {  	s0 =	rddreg [dreg:$0x4];
	s1 =	simm.s32 $0x0;
	s6 =	srdreg.scid  }
0x6: {  	s8 =	stileid.u32;
	s14 =	simm.s32 $0x80;
	s6 =	sand.u32 $0x1, s6  }
0x7: {  	s12 =	simm.s32 $0x200;
	s16 =	simm.s32 $0x100;
	s7 =	ssub.s32 $0x2, s6  }
0x8: {  	s17 =	simm.s32 $0x180;
	p1 =	por $0x0, $0x0;
	s9 =	sshrl.u32 s7, $0x1  }
0x9: {  	[smem:$0x7FF] =	sst s1;
	s10 =	sshll.u32 s8, $0xA;
	s9 =	ssub.s32 s7, s9  }
0xa: {  	s13 =	sadd.s32 $0x1000, s3;
	p0 =	sne.s32 s8, $0x0;
	s31 =	smax.u32 s9, $0x1  }
0xb: {  	s8 =	simm.s32 $0xC200;
	_ =	strace $0x80000047;
	s26 =	sadd.s32 $0xFFFFFFFF, s31  }
0xc: {  	s11 =	sshll.u32 s6, $0x9;
	s6 =	sshll.u32 s6, $0x6;
	p2 =	sne.s32 s26, $0x0  }
.Ltmp0:
0xd: {  	s19 =	sshrl.u32 @!p0 s2, $0x3;
	s29 =	sor.u32 s11, s10;
	(pc) =	sbr.rel @!p2 .LBB2_3-.Ltmp0, $4  }
0xe: {  	s15 =	sadd.s32 s4, s6;
	s10 =	simm.s32 $0x4200;
	s30 =	sshrl.u32 s29, $0x3  }
0xf: {  	s11 =	simm.s32 $0x1;
	s3 =	sshll.u32 s29, $0x4;
	s18 =	sadd.s32 s4, s30  }
0x10: {  	s7 =	sadd.s32 s5, s3;
	s9 =	simm.s32 $0x8200;
	s4 =	simm.s32 $0x2  }
0x11: {  	s6 =	sadd.s32 $0x800, s7;
	s5 =	sadd.s32 $0x1000, s7;
	s3 =	sadd.s32 $0x1800, s7  }
0x12: {  	s20 =	simm.s32 @p0 $0x0;
	s21 =	simm.s32 @p0 $0x3  }
0x13: {  	[tilespmem:s20], [sflag:$0x3] =	stream.linear.gather @p0 [hbm4b:s18+s20], $0x200, $0x38;
	[tilespmem:$0x12140] =	vst v63  }
0x14: {  	_ =	swait.ge @p0 [sflag:s21], $0x200  }
0x15: {  	s22 =	simm.s32 @!p0 $0x3;
	[sflag:s21] =	ssyncset.done @p0 $0x0  }
0x16: {  	s23 =	simm.s32 @!p0 $0x1C01;
	s24 =	simm.s32 @!p0 $0x0;
	[sflag:s21] =	ssyncadd.s32 @p0 $0xFFFFFE00  }
0x17: {  	[spmem:s19], [sflag:s23] =	dma.local @!p0 [hbm:s13], $0x3E80  }
0x18: {  	[tilespmem:s24], [sflag:$0x3] =	stream.linear.gather @!p0 [hbm4b:s15+s24], $0x200, $0x38;
	[tilespmem:$0x12140] =	vst v63  }
0x19: {  	_ =	swait.ge @!p0 [sflag:s22], $0x200  }
0x1a: {  	[sflag:s22] =	ssyncset.done @!p0 $0x0  }
0x1b: {  	s25 =	simm.s32 @!p0 $0x1;
	[sflag:s22] =	ssyncadd.s32 @!p0 $0xFFFFFE00  }
0x1c: {  	_ =	swait.ge @!p0 [sflag:s25], $0x3E80  }
0x1d: {  	[sflag:s25] =	ssyncset.done @!p0 $0x0  }
0x1e: {  	[sflag:s25] =	ssyncadd.s32 @!p0 $0xFFFFC180  }
0x1f: {  	[bflag:$0x0] =	sbarrier.arrive $0xFFFF  }
0x20: {  	[tilespmem:s12], [sflag:$0x1] =	stream.indirect.gather [spmem:s2], $0x80, s1, s14, $0xb8;
	[tilespmem:$0x12140] =	vst v63  }
0x21: {  	_ = 	snop  }
0x22: {  	[tilespmem:s10], [sflag:$0x1] =	stream.indirect.gather [spmem:s2], $0x80, s14, s14, $0xb8;
	[tilespmem:$0x12140] =	vst v63  }
0x23: {  	_ = 	snop  }
0x24: {  	[tilespmem:s9], [sflag:$0x1] =	stream.indirect.gather [spmem:s2], $0x80, s16, s14, $0xb8;
	[tilespmem:$0x12140] =	vst v63  }
0x25: {  	_ = 	snop  }
0x26: {  	[tilespmem:s8], [sflag:$0x1] =	stream.indirect.gather [spmem:s2], $0x80, s17, s14, $0xb8;
	[tilespmem:$0x12140] =	vst v63  }
0x27: {  	_ =	swait.ge [sflag:s11], $0x4000  }
0x28: {  	[sflag:s11] =	ssyncset.done $0x0  }
0x29: {  	[sflag:s11] =	ssyncadd.s32 $0xFFFFC000  }
0x2a: {  	[hbm4b:s7+s1] =	stream.linear.scatter [tilespmem:s12], [sflag:$0x2], $0x4000, $0x38;
	[tilespmem:$0x12140] =	vst v63  }
0x2b: {  	_ =	swait.ge [sflag:s11], $0x4000  }
0x2c: {  	[sflag:s11] =	ssyncset.done $0x0  }
0x2d: {  	[sflag:s11] =	ssyncadd.s32 $0xFFFFC000  }
0x2e: {  	[hbm4b:s6+s1] =	stream.linear.scatter [tilespmem:s10], [sflag:$0x2], $0x4000, $0x38;
	[tilespmem:$0x12140] =	vst v63  }
0x2f: {  	_ =	swait.ge [sflag:s11], $0x4000  }
0x30: {  	[sflag:s11] =	ssyncset.done $0x0  }
0x31: {  	[sflag:s11] =	ssyncadd.s32 $0xFFFFC000  }
0x32: {  	[hbm4b:s5+s1] =	stream.linear.scatter [tilespmem:s9], [sflag:$0x2], $0x4000, $0x38;
	[tilespmem:$0x12140] =	vst v63  }
0x33: {  	_ =	swait.ge [sflag:s11], $0x4000  }
0x34: {  	[sflag:s11] =	ssyncset.done $0x0  }
0x35: {  	[sflag:s11] =	ssyncadd.s32 $0xFFFFC000  }
0x36: {  	[hbm4b:s3+s1] =	stream.linear.scatter [tilespmem:s8], [sflag:$0x2], $0x4000, $0x38;
	[tilespmem:$0x12140] =	vst v63  }
0x37: {  	_ =	swait.ge [sflag:s4], $0x4000  }
0x38: {  	[sflag:s4] =	ssyncset.done $0x0  }
0x39: {  	[sflag:s4] =	ssyncadd.s32 $0xFFFFC000  }
0x3a: {  	_ =	swait.ge [sflag:s4], $0x4000  }
0x3b: {  	s26 =	sadd.s32 $0xFFFFFFFF, s26;
	[sflag:s4] =	ssyncset.done $0x0  }
0x3c: {  	p2 =	sne.s32 s26, $0x0;
	[sflag:s4] =	ssyncadd.s32 $0xFFFFC000  }
.Ltmp1:
0x3d: {  	_ =	swait.ge [sflag:s4], $0x4000;
	(pc) =	sbr.rel @!p2 .LBB2_3-.Ltmp1, $4  }
0x3e: {  	[sflag:s4] =	ssyncset.done $0x0  }
0x3f: {  	[sflag:s4] =	ssyncadd.s32 $0xFFFFC000  }
0x40: {  	_ =	swait.ge [sflag:s4], $0x4000  }
0x41: {  	p1 =	por $0x1, $0x1;
	[sflag:s4] =	ssyncset.done $0x0  }
.LBB2_2:
0x42: {  	[sflag:s4] =	ssyncadd.s32 $0xFFFFC000  }
0x43: {  	[tilespmem:s20], [sflag:$0x3] =	stream.linear.gather @p0 [hbm4b:s18+s20], $0x200, $0x38;
	[tilespmem:$0x12140] =	vst v63  }
0x44: {  	s26 =	sadd.s32 $0xFFFFFFFF, s26;
	_ =	swait.ge @p0 [sflag:s21], $0x200  }
0x45: {  	p2 =	sne.s32 s26, $0x0;
	[sflag:s21] =	ssyncset.done @p0 $0x0  }
0x46: {  	[sflag:s21] =	ssyncadd.s32 @p0 $0xFFFFFE00  }
0x47: {  	[spmem:s19], [sflag:s23] =	dma.local @!p0 [hbm:s13], $0x3E80  }
0x48: {  	[tilespmem:s24], [sflag:$0x3] =	stream.linear.gather @!p0 [hbm4b:s15+s24], $0x200, $0x38;
	[tilespmem:$0x12140] =	vst v63  }
0x49: {  	_ =	swait.ge @!p0 [sflag:s22], $0x200  }
0x4a: {  	[sflag:s22] =	ssyncset.done @!p0 $0x0  }
0x4b: {  	[sflag:s22] =	ssyncadd.s32 @!p0 $0xFFFFFE00  }
0x4c: {  	_ =	swait.ge @!p0 [sflag:s25], $0x3E80  }
0x4d: {  	[sflag:s25] =	ssyncset.done @!p0 $0x0  }
0x4e: {  	[sflag:s25] =	ssyncadd.s32 @!p0 $0xFFFFC180  }
0x4f: {  	[bflag:$0x0] =	sbarrier.arrive $0xFFFF  }
0x50: {  	[tilespmem:s12], [sflag:$0x1] =	stream.indirect.gather [spmem:s2], $0x80, s1, s14, $0xb8;
	[tilespmem:$0x12140] =	vst v63  }
0x51: {  	_ = 	snop  }
0x52: {  	[tilespmem:s10], [sflag:$0x1] =	stream.indirect.gather [spmem:s2], $0x80, s14, s14, $0xb8;
	[tilespmem:$0x12140] =	vst v63  }
0x53: {  	_ = 	snop  }
0x54: {  	[tilespmem:s9], [sflag:$0x1] =	stream.indirect.gather [spmem:s2], $0x80, s16, s14, $0xb8;
	[tilespmem:$0x12140] =	vst v63  }
0x55: {  	_ = 	snop  }
0x56: {  	[tilespmem:s8], [sflag:$0x1] =	stream.indirect.gather [spmem:s2], $0x80, s17, s14, $0xb8;
	[tilespmem:$0x12140] =	vst v63  }
0x57: {  	_ =	swait.ge [sflag:s11], $0x4000  }
0x58: {  	[sflag:s11] =	ssyncset.done $0x0  }
0x59: {  	[sflag:s11] =	ssyncadd.s32 $0xFFFFC000  }
0x5a: {  	[hbm4b:s7+s1] =	stream.linear.scatter [tilespmem:s12], [sflag:$0x2], $0x4000, $0x38;
	[tilespmem:$0x12140] =	vst v63  }
0x5b: {  	_ =	swait.ge [sflag:s11], $0x4000  }
0x5c: {  	[sflag:s11] =	ssyncset.done $0x0  }
0x5d: {  	[sflag:s11] =	ssyncadd.s32 $0xFFFFC000  }
0x5e: {  	[hbm4b:s6+s1] =	stream.linear.scatter [tilespmem:s10], [sflag:$0x2], $0x4000, $0x38;
	[tilespmem:$0x12140] =	vst v63  }
0x5f: {  	_ =	swait.ge [sflag:s11], $0x4000  }
0x60: {  	[sflag:s11] =	ssyncset.done $0x0  }
0x61: {  	[sflag:s11] =	ssyncadd.s32 $0xFFFFC000  }
0x62: {  	[hbm4b:s5+s1] =	stream.linear.scatter [tilespmem:s9], [sflag:$0x2], $0x4000, $0x38;
	[tilespmem:$0x12140] =	vst v63  }
0x63: {  	_ =	swait.ge [sflag:s11], $0x4000  }
0x64: {  	[sflag:s11] =	ssyncset.done $0x0  }
0x65: {  	[sflag:s11] =	ssyncadd.s32 $0xFFFFC000  }
0x66: {  	[hbm4b:s3+s1] =	stream.linear.scatter [tilespmem:s8], [sflag:$0x2], $0x4000, $0x38;
	[tilespmem:$0x12140] =	vst v63  }
0x67: {  	_ =	swait.ge [sflag:s4], $0x4000  }
0x68: {  	[sflag:s4] =	ssyncset.done $0x0  }
0x69: {  	[sflag:s4] =	ssyncadd.s32 $0xFFFFC000  }
0x6a: {  	_ =	swait.ge [sflag:s4], $0x4000  }
0x6b: {  	[sflag:s4] =	ssyncset.done $0x0  }
0x6c: {  	[sflag:s4] =	ssyncadd.s32 $0xFFFFC000  }
.Ltmp2:
0x6d: {  	_ =	swait.ge [sflag:s4], $0x4000;
	(pc) =	sbr.rel @p2 .LBB2_2-.Ltmp2, $4  }
0x6e: {  	[sflag:s4] =	ssyncset.done $0x0  }
0x6f: {  	[sflag:s4] =	ssyncadd.s32 $0xFFFFC000  }
0x70: {  	_ =	swait.ge [sflag:s4], $0x4000  }
0x71: {  	[sflag:s4] =	ssyncset.done $0x0  }
.LBB2_3:
0x72: {  	s20 =	simm.s32 @p0 $0x0;
	s21 =	simm.s32 @p0 $0x3;
	[sflag:s4] =	ssyncadd.s32 @p1 $0xFFFFC000  }
0x73: {  	[tilespmem:s20], [sflag:$0x3] =	stream.linear.gather @p0 [hbm4b:s18+s20], $0x200, $0x38;
	[tilespmem:$0x12140] =	vst v63  }
0x74: {  	_ =	swait.ge @p0 [sflag:s21], $0x200  }
0x75: {  	s18 =	simm.s32 @!p0 $0x3;
	[sflag:s21] =	ssyncset.done @p0 $0x0  }
0x76: {  	s20 =	simm.s32 @!p0 $0x1C01;
	[sflag:s21] =	ssyncadd.s32 @p0 $0xFFFFFE00;
	s21 =	simm.s32 @!p0 $0x0  }
0x77: {  	[spmem:s19], [sflag:s20] =	dma.local @!p0 [hbm:s13], $0x3E80  }
0x78: {  	[tilespmem:s21], [sflag:$0x3] =	stream.linear.gather @!p0 [hbm4b:s15+s21], $0x200, $0x38;
	[tilespmem:$0x12140] =	vst v63  }
0x79: {  	_ =	swait.ge @!p0 [sflag:s18], $0x200  }
0x7a: {  	[sflag:s18] =	ssyncset.done @!p0 $0x0  }
0x7b: {  	s13 =	simm.s32 @!p0 $0x1;
	[sflag:s18] =	ssyncadd.s32 @!p0 $0xFFFFFE00  }
0x7c: {  	_ =	swait.ge @!p0 [sflag:s13], $0x3E80  }
0x7d: {  	[sflag:s13] =	ssyncset.done @!p0 $0x0  }
0x7e: {  	[sflag:s13] =	ssyncadd.s32 @!p0 $0xFFFFC180  }
0x7f: {  	[bflag:$0x0] =	sbarrier.arrive $0xFFFF  }
0x80: {  	[tilespmem:s12], [sflag:$0x1] =	stream.indirect.gather [spmem:s2], $0x80, s1, s14, $0xb8;
	[tilespmem:$0x12140] =	vst v63  }
0x81: {  	_ = 	snop  }
0x82: {  	[tilespmem:s10], [sflag:$0x1] =	stream.indirect.gather [spmem:s2], $0x80, s14, s14, $0xb8;
	[tilespmem:$0x12140] =	vst v63  }
0x83: {  	_ = 	snop  }
0x84: {  	[tilespmem:s9], [sflag:$0x1] =	stream.indirect.gather [spmem:s2], $0x80, s16, s14, $0xb8;
	[tilespmem:$0x12140] =	vst v63  }
0x85: {  	_ = 	snop  }
0x86: {  	[tilespmem:s8], [sflag:$0x1] =	stream.indirect.gather [spmem:s2], $0x80, s17, s14, $0xb8;
	[tilespmem:$0x12140] =	vst v63  }
0x87: {  	_ =	swait.ge [sflag:s11], $0x4000  }
0x88: {  	[sflag:s11] =	ssyncset.done $0x0  }
0x89: {  	[sflag:s11] =	ssyncadd.s32 $0xFFFFC000  }
0x8a: {  	[hbm4b:s7+s1] =	stream.linear.scatter [tilespmem:s12], [sflag:$0x2], $0x4000, $0x38;
	[tilespmem:$0x12140] =	vst v63  }
0x8b: {  	_ =	swait.ge [sflag:s11], $0x4000  }
0x8c: {  	[sflag:s11] =	ssyncset.done $0x0  }
0x8d: {  	[sflag:s11] =	ssyncadd.s32 $0xFFFFC000  }
0x8e: {  	[hbm4b:s6+s1] =	stream.linear.scatter [tilespmem:s10], [sflag:$0x2], $0x4000, $0x38;
	[tilespmem:$0x12140] =	vst v63  }
0x8f: {  	_ =	swait.ge [sflag:s11], $0x4000  }
0x90: {  	[sflag:s11] =	ssyncset.done $0x0  }
0x91: {  	[sflag:s11] =	ssyncadd.s32 $0xFFFFC000  }
0x92: {  	[hbm4b:s5+s1] =	stream.linear.scatter [tilespmem:s9], [sflag:$0x2], $0x4000, $0x38;
	[tilespmem:$0x12140] =	vst v63  }
0x93: {  	_ =	swait.ge [sflag:s11], $0x4000  }
0x94: {  	[sflag:s11] =	ssyncset.done $0x0  }
0x95: {  	[sflag:s11] =	ssyncadd.s32 $0xFFFFC000  }
0x96: {  	[hbm4b:s3+s1] =	stream.linear.scatter [tilespmem:s8], [sflag:$0x2], $0x4000, $0x38;
	[tilespmem:$0x12140] =	vst v63  }
0x97: {  	_ =	swait.ge [sflag:s4], $0x4000  }
0x98: {  	[sflag:s4] =	ssyncset.done $0x0  }
0x99: {  	[sflag:s4] =	ssyncadd.s32 $0xFFFFC000  }
0x9a: {  	_ =	swait.ge [sflag:s4], $0x4000  }
0x9b: {  	[sflag:s4] =	ssyncset.done $0x0  }
0x9c: {  	[sflag:s4] =	ssyncadd.s32 $0xFFFFC000  }
0x9d: {  	_ =	swait.ge [sflag:s4], $0x4000  }
0x9e: {  	[sflag:s4] =	ssyncset.done $0x0  }
0x9f: {  	[sflag:s4] =	ssyncadd.s32 $0xFFFFC000  }
0xa0: {  	_ =	swait.ge [sflag:s4], $0x4000  }
0xa1: {  	[sflag:s4] =	ssyncset.done $0x0  }
0xa2: {  	[sflag:s4] =	ssyncadd.s32 $0xFFFFC000  }
0xa3: {  	_ =	sfence.sel $0x180000  }
0xa4: {  	[bflag:$0x0] =	sbarrier.arrive $0xFFFF  }
0xa5: {  	_ =	strace $0x90000047  }
0xa6: {  	s0 =	sadd.s32 @!p0 $0x100000, s0;
	[bflag:$0x2] =	sbarrier.arrive $0xFFFF  }
0xa7: {  	[sflag:s0] =	ssyncadd.tile.s32 @!p0 $0x1;
	_ =	shalt  }
.Lfunc_end2:
_tile_overlayer_lowered:
.L_overlay_start_2:
0xa8: {  	(tag) =	ssettag $0x2  }
0xa9: {  	s0 =	rddreg [dreg:$0x0];
	s2 =	stileid.u32  }
0xaa: {  	s1 =	rddreg [dreg:$0x1];
	p0 =	sne.s32 s2, $0x0  }
0xab: {  	s3 =	rddreg [dreg:$0x2];
	[bflag:$0x3] =	sbarrier.arrive $0xFFFF;
	s2 =	simm.s32 @!p0 $0x1C03  }
0xac: {  	[timem:s3], [sflag:s2] =	dma.local @!p0 [hbm:s0], s1  }
0xad: {  	s0 =	simm.s32 @!p0 $0x3  }
0xae: {  	_ =	swait.ge @!p0 [sflag:s0], s1  }
0xaf: {  	s1 =	ssub.s32 @!p0 $0x0, s1;
	[sflag:s0] =	ssyncset.done @!p0 $0x0  }
0xb0: {  	[sflag:s0] =	ssyncadd.s32 @!p0 s1  }
0xb1: {  	[bflag:$0x3] =	sbarrier.arrive $0xFFFF  }
0xb2: {  	_ =	shalt  }

</sc_bundles>
